<compile_context>
chip_gen: v7x
topology: tpu7x:2x2x1
jax: 0.10.2.dev20260603
libtpu: 0.0.44.dev20260713+nightly
codegen_flags: <defaults>
</compile_context>

<pallas_src>
import functools

import jax
import jax.numpy as jnp
import numpy as np
from jax.experimental import pallas as pl


def _body(ncat, x_ref, m_ref, nap_ref, o_ref):
    xb = x_ref[...]
    nan = jnp.isnan(xb)
    xc = jnp.where(nan, 0.0, xb)
    idx = xc[:, :ncat].astype(jnp.int32)
    parts = [xc]
    for v in range(7):
        parts.append(jnp.where(idx == v, 1.0, 0.0))
    parts.append(jnp.ones((xb.shape[0], 2), dtype=xb.dtype))
    xin = jnp.concatenate(parts, axis=1).astype(jnp.bfloat16)
    y = jax.lax.dot_general(
        xin, m_ref[...], (((1,), (0,)), ((), ())),
        preferred_element_type=jnp.float32)
    H = y.shape[1] // xb.shape[1]
    nanf = jnp.where(nan, 1.0, 0.0)
    nan_g = jnp.concatenate([nanf] * H, axis=1)
    y = jnp.where(nan_g != 0, nap_ref[...], y)
    g = jax.lax.erf(y * 0.7071067811865476)
    o_ref[...] = y * (0.5 + 0.5 * g)


def kernel(x, cat_tables, lin_w, lin_b, na_emb, pos_table):
    B, T, D = x.shape
    NCAT, V, H = cat_tables.shape
    BT = B * T
    DH = D * H
    xf = x.reshape(BT, D)

    kk = np.arange(DH)
    hh = kk // D
    dd = kk % D

    onehot_h = (np.arange(H)[:, None] == hh[None, :]).astype(np.float32)
    eq_w = np.arange(D)[:, None] == dd[None, :]
    eq_c = (dd[None, :] == (np.arange(7 * NCAT) % NCAT)[:, None]) \
        & (dd[None, :] < NCAT)

    zc = jnp.zeros((NCAT, H), dtype=lin_w.dtype)
    lin_w_pad = jnp.concatenate([zc, lin_w], axis=0)
    lin_b_pad = jnp.concatenate([zc, lin_b], axis=0)

    w_rows = jnp.where(eq_w, lin_w_pad @ onehot_h, 0.0)
    ctv = cat_tables.transpose(1, 0, 2).reshape(V * NCAT, H)
    c_rows = jnp.where(eq_c[: V * NCAT], ctv @ onehot_h, 0.0)
    if V < 7:
        c_rows = jnp.concatenate(
            [c_rows, jnp.zeros(((7 - V) * NCAT, DH), c_rows.dtype)], axis=0)

    pos_flat = pos_table.reshape(DH)
    cf = pos_flat + jnp.sum(jnp.where(eq_w, lin_b_pad @ onehot_h, 0.0), axis=0)
    cf_hi = cf.astype(jnp.bfloat16).astype(jnp.float32)
    cf_lo = cf - cf_hi
    m = jnp.concatenate(
        [w_rows, c_rows, cf_hi[None, :], cf_lo[None, :]],
        axis=0).astype(jnp.bfloat16)
    K = D + 7 * NCAT + 2

    nap = (pos_flat + (na_emb @ jnp.asarray(onehot_h))[0]).reshape(1, DH)

    R = 512
    while BT % R:
        R //= 2

    out = pl.pallas_call(
        functools.partial(_body, NCAT),
        grid=(BT // R,),
        in_specs=[
            pl.BlockSpec((R, D), lambda i: (i, 0)),
            pl.BlockSpec((K, DH), lambda i: (0, 0)),
            pl.BlockSpec((1, DH), lambda i: (0, 0)),
        ],
        out_specs=pl.BlockSpec((R, DH), lambda i: (i, 0)),
        out_shape=jax.ShapeDtypeStruct((BT, DH), jnp.float32),
    )(xf, m, nap)
    return out.reshape(B, T, DH)

# --- scband reference (transcript-rebuilt; emitter-appended) ---
"""Pipeline reference for scband-tabular-embedding-38036230373568 (READ-ONLY COPY).

The authoritative reference and input builder live on the scoring server;
editing this copy changes nothing except your own understanding.
"""

import jax, jax.numpy as jnp
import numpy as np

B, T, D, H = 1024, 20, 157, 16
CAT_VOCABS = [2, 2, 2, 2, 3, 3, 4, 6, 7, 7, 7]


def setup_inputs(seed: int = 0) -> dict:
    key = jax.random.key(seed)
    ks = jax.random.split(key, 8)
    # x in [0,1): for the 11 categorical features, int() of it is 0 which is a
    # valid index for every vocab; continuous features use the raw float value.
    x = jax.random.uniform(ks[0], (B, T, D), dtype=jnp.float32)
    # Categorical tables padded to max vocab (7); rows beyond each feature's
    # true vocab are never indexed, so the math is identical to per-feature tables.
    cat_tables = jax.random.normal(ks[1], (11, 7, H), dtype=jnp.float32) * 0.02
    # nn.Linear(1, H) per continuous feature: weight [H] (since in_features=1) and bias [H].
    lin_w = jax.random.normal(ks[2], (D - 11, H), dtype=jnp.float32) * 0.02
    lin_b = jax.random.normal(ks[3], (D - 11, H), dtype=jnp.float32) * 0.02
    na_emb = jax.random.normal(ks[4], (1, H), dtype=jnp.float32) * 0.02
    pos_table = jax.random.normal(ks[5], (D, H), dtype=jnp.float32) * 0.02
    return {"x": x, "cat_tables": cat_tables, "lin_w": lin_w, "lin_b": lin_b,
            "na_emb": na_emb, "pos_table": pos_table}


def reference(x, cat_tables, lin_w, lin_b, na_emb, pos_table):
    Bv, Tv, Dv = x.shape
    xf = x.reshape(Bv * Tv, Dv)
    embs = []
    for i in range(Dv):
        col = xf[:, i]
        nan_mask = jnp.isnan(col)
        if i < 11:
            idx = jax.lax.stop_gradient(
                jnp.where(nan_mask, 0.0, col).astype(jnp.int32))
            e = jnp.take(cat_tables[i], idx, axis=0)  # [BT, H]
        else:
            xv = jnp.where(nan_mask, 0.0, col)[:, None]
            e = xv * lin_w[i - 11][None, :] + lin_b[i - 11][None, :]
        # NaN positions get the NA embedding (matches output[nan_mask] = nan_embedding)
        e = jnp.where(nan_mask[:, None], na_emb[0][None, :], e)
        embs.append(e)
    emb = jnp.stack(embs, axis=2)              # [BT, H, D] (torch stack dim=2)
    emb = emb.reshape(Bv * Tv, H * Dv)         # flatten(1)
    pos = jnp.take(pos_table, jnp.arange(Dv), axis=0)   # [D, H]
    pos = jnp.broadcast_to(pos[None, :, :], (Bv * Tv, Dv, H)).reshape(Bv * Tv, Dv * H)
    out = jax.nn.gelu(emb + pos, approximate=False)
    return out.reshape(Bv, Tv, H * Dv)

if __name__ == "__main__":
    import jax
    _d = setup_inputs()
    print(jax.jit(kernel)(*tuple(_d.values())))

</pallas_src>

<mosaic_0001>
module attributes {stable_mosaic.version = 14 : i64} {
  func.func @_body(%arg0: i32, %arg1: memref<512x157xf32, #tpu.memory_space<vmem>>, %arg2: memref<236x2512xbf16, #tpu.memory_space<vmem>>, %arg3: memref<1x2512xf32, #tpu.memory_space<vmem>>, %arg4: memref<512x2512xf32, #tpu.memory_space<vmem>>) attributes {dimension_semantics = [#tpu.dimension_semantics<arbitrary>], iteration_bounds = array<i64: 40>, scalar_prefetch = 0 : i64, scratch_operands = 0 : i64, tpu.core_type = #tpu.core_type<tc>, window_params = [{transform_indices = @transform_0, window_bounds = array<i64: 512, 157>}, {pipeline_mode = #tpu.pipeline_mode<synchronous>, transform_indices = @transform_1, window_bounds = array<i64: 236, 2512>}, {pipeline_mode = #tpu.pipeline_mode<synchronous>, transform_indices = @transform_2, window_bounds = array<i64: 1, 2512>}, {transform_indices = @transform_3, window_bounds = array<i64: 512, 2512>}]} {
    %get3A = arith.constant 0 : index
    %get3A_0 = arith.constant 0 : index
    %get3A_1 = vector.load %arg1[%get3A, %get3A_0] : memref<512x157xf32, #tpu.memory_space<vmem>>, vector<512x157xf32>
    %ne3A = arith.cmpf one, %get3A_1, %get3A_1 : vector<512x157xf32>
    %jit3A = arith.constant 0.000000e+00 : f32
    %broadcast_in_dim3A = vector.broadcast %jit3A : f32 to vector<512x157xf32>
    %select_n3A = arith.select %ne3A, %broadcast_in_dim3A, %get3A_1 : vector<512x157xi1>, vector<512x157xf32>
    %slice3A = vector.extract_strided_slice %select_n3A {offsets = [0, 0], sizes = [512, 11], strides = [1, 1]} : vector<512x157xf32> to vector<512x11xf32>
    %convert_element_type3A = arith.fptosi %slice3A : vector<512x11xf32> to vector<512x11xi32>
    %eq3A = arith.constant 0 : i32
    %eq3A_2 = vector.broadcast %eq3A : i32 to vector<512x11xi32>
    %eq3A_3 = arith.cmpi eq, %convert_element_type3A, %eq3A_2 : vector<512x11xi32>
    %jit3A_4 = arith.constant 1.000000e+00 : f32
    %jit3A_5 = arith.constant 0.000000e+00 : f32
    %broadcast_in_dim3A_6 = vector.broadcast %jit3A_4 : f32 to vector<512x11xf32>
    %broadcast_in_dim3A_7 = vector.broadcast %jit3A_5 : f32 to vector<512x11xf32>
    %select_n3A_8 = arith.select %eq3A_3, %broadcast_in_dim3A_6, %broadcast_in_dim3A_7 : vector<512x11xi1>, vector<512x11xf32>
    %eq3A_9 = arith.constant 1 : i32
    %eq3A_10 = vector.broadcast %eq3A_9 : i32 to vector<512x11xi32>
    %eq3A_11 = arith.cmpi eq, %convert_element_type3A, %eq3A_10 : vector<512x11xi32>
    %jit3A_12 = arith.constant 1.000000e+00 : f32
    %jit3A_13 = arith.constant 0.000000e+00 : f32
    %broadcast_in_dim3A_14 = vector.broadcast %jit3A_12 : f32 to vector<512x11xf32>
    %broadcast_in_dim3A_15 = vector.broadcast %jit3A_13 : f32 to vector<512x11xf32>
    %select_n3A_16 = arith.select %eq3A_11, %broadcast_in_dim3A_14, %broadcast_in_dim3A_15 : vector<512x11xi1>, vector<512x11xf32>
    %eq3A_17 = arith.constant 2 : i32
    %eq3A_18 = vector.broadcast %eq3A_17 : i32 to vector<512x11xi32>
    %eq3A_19 = arith.cmpi eq, %convert_element_type3A, %eq3A_18 : vector<512x11xi32>
    %jit3A_20 = arith.constant 1.000000e+00 : f32
    %jit3A_21 = arith.constant 0.000000e+00 : f32
    %broadcast_in_dim3A_22 = vector.broadcast %jit3A_20 : f32 to vector<512x11xf32>
    %broadcast_in_dim3A_23 = vector.broadcast %jit3A_21 : f32 to vector<512x11xf32>
    %select_n3A_24 = arith.select %eq3A_19, %broadcast_in_dim3A_22, %broadcast_in_dim3A_23 : vector<512x11xi1>, vector<512x11xf32>
    %eq3A_25 = arith.constant 3 : i32
    %eq3A_26 = vector.broadcast %eq3A_25 : i32 to vector<512x11xi32>
    %eq3A_27 = arith.cmpi eq, %convert_element_type3A, %eq3A_26 : vector<512x11xi32>
    %jit3A_28 = arith.constant 1.000000e+00 : f32
    %jit3A_29 = arith.constant 0.000000e+00 : f32
    %broadcast_in_dim3A_30 = vector.broadcast %jit3A_28 : f32 to vector<512x11xf32>
    %broadcast_in_dim3A_31 = vector.broadcast %jit3A_29 : f32 to vector<512x11xf32>
    %select_n3A_32 = arith.select %eq3A_27, %broadcast_in_dim3A_30, %broadcast_in_dim3A_31 : vector<512x11xi1>, vector<512x11xf32>
    %eq3A_33 = arith.constant 4 : i32
    %eq3A_34 = vector.broadcast %eq3A_33 : i32 to vector<512x11xi32>
    %eq3A_35 = arith.cmpi eq, %convert_element_type3A, %eq3A_34 : vector<512x11xi32>
    %jit3A_36 = arith.constant 1.000000e+00 : f32
    %jit3A_37 = arith.constant 0.000000e+00 : f32
    %broadcast_in_dim3A_38 = vector.broadcast %jit3A_36 : f32 to vector<512x11xf32>
    %broadcast_in_dim3A_39 = vector.broadcast %jit3A_37 : f32 to vector<512x11xf32>
    %select_n3A_40 = arith.select %eq3A_35, %broadcast_in_dim3A_38, %broadcast_in_dim3A_39 : vector<512x11xi1>, vector<512x11xf32>
    %eq3A_41 = arith.constant 5 : i32
    %eq3A_42 = vector.broadcast %eq3A_41 : i32 to vector<512x11xi32>
    %eq3A_43 = arith.cmpi eq, %convert_element_type3A, %eq3A_42 : vector<512x11xi32>
    %jit3A_44 = arith.constant 1.000000e+00 : f32
    %jit3A_45 = arith.constant 0.000000e+00 : f32
    %broadcast_in_dim3A_46 = vector.broadcast %jit3A_44 : f32 to vector<512x11xf32>
    %broadcast_in_dim3A_47 = vector.broadcast %jit3A_45 : f32 to vector<512x11xf32>
    %select_n3A_48 = arith.select %eq3A_43, %broadcast_in_dim3A_46, %broadcast_in_dim3A_47 : vector<512x11xi1>, vector<512x11xf32>
    %eq3A_49 = arith.constant 6 : i32
    %eq3A_50 = vector.broadcast %eq3A_49 : i32 to vector<512x11xi32>
    %eq3A_51 = arith.cmpi eq, %convert_element_type3A, %eq3A_50 : vector<512x11xi32>
    %jit3A_52 = arith.constant 1.000000e+00 : f32
    %jit3A_53 = arith.constant 0.000000e+00 : f32
    %broadcast_in_dim3A_54 = vector.broadcast %jit3A_52 : f32 to vector<512x11xf32>
    %broadcast_in_dim3A_55 = vector.broadcast %jit3A_53 : f32 to vector<512x11xf32>
    %select_n3A_56 = arith.select %eq3A_51, %broadcast_in_dim3A_54, %broadcast_in_dim3A_55 : vector<512x11xi1>, vector<512x11xf32>
    %broadcast_in_dim3A_57 = arith.constant 1.000000e+00 : f32
    %broadcast_in_dim3A_58 = vector.broadcast %broadcast_in_dim3A_57 : f32 to vector<512x2xf32>
    %concatenate3A = tpu.concatenate %select_n3A, %select_n3A_8, %select_n3A_16, %select_n3A_24, %select_n3A_32, %select_n3A_40, %select_n3A_48, %select_n3A_56, %broadcast_in_dim3A_58 in 1 : vector<512x157xf32>, vector<512x11xf32>, vector<512x11xf32>, vector<512x11xf32>, vector<512x11xf32>, vector<512x11xf32>, vector<512x11xf32>, vector<512x11xf32>, vector<512x2xf32> -> vector<512x236xf32>
    %convert_element_type3A_59 = arith.truncf %concatenate3A : vector<512x236xf32> to vector<512x236xbf16>
    %get3A_60 = arith.constant 0 : index
    %get3A_61 = arith.constant 0 : index
    %get3A_62 = vector.load %arg2[%get3A_60, %get3A_61] : memref<236x2512xbf16, #tpu.memory_space<vmem>>, vector<236x2512xbf16>
    %dot_general3A = arith.constant dense<0.000000e+00> : vector<512x2512xf32>
    %dot_general3A_63 = tpu.matmul %convert_element_type3A_59, %get3A_62, %dot_general3A {dimension_numbers = #tpu.dot_dimension_numbers<[1], [0], [0], [1], [0, 0, 1, 1], [], []>, transpose_lhs_hint = false} : vector<512x236xbf16>, vector<236x2512xbf16>, vector<512x2512xf32> -> vector<512x2512xf32>
    %jit3A_64 = arith.constant 1.000000e+00 : f32
    %jit3A_65 = arith.constant 0.000000e+00 : f32
    %broadcast_in_dim3A_66 = vector.broadcast %jit3A_64 : f32 to vector<512x157xf32>
    %broadcast_in_dim3A_67 = vector.broadcast %jit3A_65 : f32 to vector<512x157xf32>
    %select_n3A_68 = arith.select %ne3A, %broadcast_in_dim3A_66, %broadcast_in_dim3A_67 : vector<512x157xi1>, vector<512x157xf32>
    %concatenate3A_69 = tpu.concatenate %select_n3A_68, %select_n3A_68, %select_n3A_68, %select_n3A_68, %select_n3A_68, %select_n3A_68, %select_n3A_68, %select_n3A_68, %select_n3A_68, %select_n3A_68, %select_n3A_68, %select_n3A_68, %select_n3A_68, %select_n3A_68, %select_n3A_68, %select_n3A_68 in 1 : vector<512x157xf32>, vector<512x157xf32>, vector<512x157xf32>, vector<512x157xf32>, vector<512x157xf32>, vector<512x157xf32>, vector<512x157xf32>, vector<512x157xf32>, vector<512x157xf32>, vector<512x157xf32>, vector<512x157xf32>, vector<512x157xf32>, vector<512x157xf32>, vector<512x157xf32>, vector<512x157xf32>, vector<512x157xf32> -> vector<512x2512xf32>
    %ne3A_70 = arith.constant 0.000000e+00 : f32
    %ne3A_71 = vector.broadcast %ne3A_70 : f32 to vector<512x2512xf32>
    %ne3A_72 = arith.cmpf one, %concatenate3A_69, %ne3A_71 : vector<512x2512xf32>
    %get3A_73 = arith.constant 0 : index
    %get3A_74 = arith.constant 0 : index
    %get3A_75 = vector.load %arg3[%get3A_73, %get3A_74] : memref<1x2512xf32, #tpu.memory_space<vmem>>, vector<1x2512xf32>
    %broadcast_in_dim3A_76 = vector.shape_cast %get3A_75 : vector<1x2512xf32> to vector<1x2512xf32>
    %broadcast_in_dim3A_77 = vector.broadcast %broadcast_in_dim3A_76 : vector<1x2512xf32> to vector<512x2512xf32>
    %select_n3A_78 = arith.select %ne3A_72, %broadcast_in_dim3A_77, %dot_general3A_63 : vector<512x2512xi1>, vector<512x2512xf32>
    %mul3A = arith.constant 0.707106769 : f32
    %mul3A_79 = vector.broadcast %mul3A : f32 to vector<512x2512xf32>
    %mul3A_80 = arith.mulf %select_n3A_78, %mul3A_79 : vector<512x2512xf32>
    %erf3A = math.erf %mul3A_80 : vector<512x2512xf32>
    %mul3A_81 = arith.constant 5.000000e-01 : f32
    %mul3A_82 = vector.broadcast %mul3A_81 : f32 to vector<512x2512xf32>
    %mul3A_83 = arith.mulf %mul3A_82, %erf3A : vector<512x2512xf32>
    %add3A = arith.constant 5.000000e-01 : f32
    %add3A_84 = vector.broadcast %add3A : f32 to vector<512x2512xf32>
    %add3A_85 = arith.addf %add3A_84, %mul3A_83 : vector<512x2512xf32>
    %mul3A_86 = arith.mulf %select_n3A_78, %add3A_85 : vector<512x2512xf32>
    %swap3A = arith.constant 0 : index
    %swap3A_87 = arith.constant 0 : index
    %swap3A_88 = vector.load %arg4[%swap3A, %swap3A_87] : memref<512x2512xf32, #tpu.memory_space<vmem>>, vector<512x2512xf32>
    tpu.vector_store %arg4[%swap3A, %swap3A_87], %mul3A_86 {strides = array<i32>} : memref<512x2512xf32, #tpu.memory_space<vmem>>, vector<512x2512xf32>,
    return
  }
  func.func @transform_0(%arg0: i32) -> (i32, i32) {
    %c0_i32 = arith.constant 0 : i32
    %c0_i32_0 = arith.constant 0 : i32
    return %arg0, %c0_i32 : i32, i32
  }
  func.func @transform_1(%arg0: i32) -> (i32, i32) {
    %c0_i32 = arith.constant 0 : i32
    %c0_i32_0 = arith.constant 0 : i32
    %c0_i32_1 = arith.constant 0 : i32
    return %c0_i32, %c0_i32_0 : i32, i32
  }
  func.func @transform_2(%arg0: i32) -> (i32, i32) {
    %c0_i32 = arith.constant 0 : i32
    %c0_i32_0 = arith.constant 0 : i32
    %c0_i32_1 = arith.constant 0 : i32
    return %c0_i32, %c0_i32_0 : i32, i32
  }
  func.func @transform_3(%arg0: i32) -> (i32, i32) {
    %c0_i32 = arith.constant 0 : i32
    %c0_i32_0 = arith.constant 0 : i32
    return %arg0, %c0_i32 : i32, i32
  }
}

</mosaic_0001>

<sc_bundles>
// kernel: sparse-core-data-format-call.cloned.1.call-start
scs
called_computation_lowered:
.L_overlay_start_0:
0x0: {  	s2 =	sld [smem:$0x3FD9]  }
0x1: {  	s3 =	sld [smem:$0x3FFE];
	_ =	sdelay $0x1  }
0x2: {  	s1 =	srdreg.scid  }
0x3: {  	s0 =	sand.u32 $0x1, s1  }
0x4: {  	s18 =	sshll.u32 s0, $0xA;
	s2 =	sadd.s32 s3, s2  }
0x5: {  	s2 =	sadd.s32 s2, s18  }
0x6: {  	[smem:$0x3FC2] =	sst s2  }
0x7: {  	_ = 	snop  }
0x8: {  	s2 =	sld [smem:$0x3FD0];
	(tm) =	ssettm $0x1  }
0x9: {  	s19 =	sld [smem:$0x3FFB];
	_ =	sdelay $0x3  }
0xa: {  	_ =	strace s19  }
0xb: {  	s3 =	sld [smem:$0x3FFC];
	_ =	sdelay $0x3  }
0xc: {  	_ =	strace s3  }
0xd: {  	s3 =	sld [smem:$0x3FFD];
	_ =	sdelay $0x3  }
0xe: {  	_ =	strace s3  }
0xf: {  	_ =	strace $0x8FFFFFFF  }
0x10: {  	s20 =	sld [smem:$0x3FDB];
	_ =	sdelay $0x1  }
0x11: {  	s4 =	simm.s32 $_scs_section_size  }
0x12: {  	s5 =	simm.s32 $_size__tile_overlayer_lowered;
	s6 =	simm.s32 $_tile_overlayer_lowered  }
0x13: {  	s23 =	simm.s32 $0x1BFF;
	s22 =	sshll.u32 s6, $0x1;
	s3 =	sadd.s32 s4, s20  }
0x14: {  	s7 =	simm.s32 $0x0;
	s21 =	sshll.u32 s5, $0x1;
	s5 =	sadd.s32 s22, s3  }
0x15: {  	[timem:s7], [sflag:s23] =	dma.local [hbm:s5], s21  }
0x16: {  	_ =	swait.ge [sflag:s23], s21  }
0x17: {  	s4 =	ssub.s32 $0x0, s21;
	[sflag:s23] =	ssyncset.done $0x0  }
0x18: {  	[sflag:s23] =	ssyncadd.s32 s4;
	_ =	sdelay $0x1  }
0x19: {  	s24 =	simm.s32 $0x1B8B  }
0x1a: {  	_ =	swait.ge [sflag:s24], $0x1  }
0x1b: {  	[sflag:s24] =	ssyncset.done $0x0  }
0x1c: {  	s26 =	simm.s32 $0x1B8E;
	s25 =	sld [smem:$0x3FFE];
	[sflag:s24] =	ssyncadd.s32 $0xFFFFFFFF  }
0x1d: {  	s27 =	simm.s32 $execute0_lowered;
	[smem:$0x3FD2] =	sst s26  }
0x1e: {  	s5 =	sshll.u32 s27, $0x1;
	_ =	strace $0x80000046;
	[dreg:$0x1] =	wrdreg $0xFFFFFFFF  }
0x1f: {  	s28 =	simm.s32 $_size_execute0_lowered;
	s3 =	sadd.s32 s3, s5;
	[dreg:$0x0] =	wrdreg $0x0  }
0x20: {  	s5 =	sshll.u32 s28, $0x1;
	[dreg:$0x2] =	wrdreg s3  }
0x21: {  	[dreg:$0x3] =	wrdreg s5  }
0x22: {  	[dreg:$0x4] =	wrdreg $0xC0  }
0x23: {  	_ =	task [dreg:s7], $0x5FFFF  }
0x24: {  	[dreg:$0x1] =	wrdreg $0xFFFFFFFF  }
0x25: {  	[dreg:$0x0] =	wrdreg $0x60  }
0x26: {  	[dreg:$0x2] =	wrdreg s25  }
0x27: {  	[dreg:$0x3] =	wrdreg s2  }
0x28: {  	[dreg:$0x4] =	wrdreg $0x9  }
0x29: {  	_ =	task.clear_ibuf [dreg:s7], $0x5FFFF;
	_ =	strace $0x90000046  }
0x2a: {  	s29 =	simm.s32 $0x9;
	_ =	strace $0x80000048  }
0x2b: {  	_ =	swait.ge [sflag:s29], $0x1  }
0x2c: {  	[sflag:s29] =	ssyncadd.s32 $0xFFFFFFFF  }
0x2d: {  	_ =	strace $0x90000048  }
0x2e: {  	_ =	sfence  }
0x2f: {  	s30 =	sld [smem:$0x0];
	_ =	sdelay $0x2  }
0x30: {  	s31 =	sshll.u32 s1, $0xD;
	s1 =	sshrl.u32 s1, $0x2  }
0x31: {  	s3 =	sand.u32 $0x4000, s31;
	s1 =	sadd.s32 s1, s30  }
0x32: {  	s0 =	sor.u32 s3, s0;
	s1 =	sshll.u32 s1, $0x11  }
0x33: {  	s0 =	sor.u32 s1, s0  }
0x34: {  	s0 =	sadd.s32 $0x8F2B, s0  }
0x35: {  	[sflag:s0] =	ssyncadd.remote.s32 $0x1  }
0x36: {  	_ =	sfence.sel $0xFFFF  }
0x37: {  	[dreg:$0x0] =	wrdreg $0xFFFFFFFF;
	(pc) =	sbr.abs _section_cstart, $3  }
0x38: {  	[dreg:$0x1] =	wrdreg $0xFFFFFFFF  }
0x39: {  	_ =	task.clear_ibuf [dreg:s7], $0x2FFFF;
	_ =	strace $0x9FFFFFFF  }
0x3a: {  	(tm) =	ssettm $0x7FFFFFFF  }
0x3b: {  	_ =	shalt  }
tec
execute0_lowered:
.L_overlay_start_1:
0x0: {  	(tag) =	ssettag $0x1  }
0x1: {  	s4 =	rddreg [dreg:$0x0]  }
0x2: {  	s0 =	stileid.u32;
	s2 =	rddreg [dreg:$0x1]  }
0x3: {  	s7 =	srdreg.scid;
	s8 =	simm.s32 $0x2;
	s17 =	simm.s32 $0x0  }
0x4: {  	s9 =	simm.s32 $0x2000;
	s19 =	simm.s32 $0x0;
	s18 =	simm.s32 $0x0  }
0x5: {  	s10 =	simm.s32 $0x0;
	s11 =	simm.s32 $0x0;
	s1 =	sshll.u32 s0, $0x7  }
0x6: {  	s12 =	simm.s32 $0x0;
	s13 =	simm.s32 $0x0;
	s3 =	sand.u32 $0x380, s1  }
0x7: {  	s16 =	simm.s32 $0x0;
	s7 =	sshll.u32 s7, $0x4;
	s5 =	ssub.s32 $0x400, s3  }
0x8: {  	s4 =	sadd.s32 $0x640600, s4;
	s1 =	rddreg [dreg:$0x2];
	s6 =	sand.u32 $0x380, s5  }
0x9: {  	s7 =	sand.u32 $0x10, s7;
	p0 =	sne.s32 s6, $0x0;
	s6 =	simm.s32 $0x1  }
.Ltmp0:
0xa: {  	s5 =	sshrl.u32 s5, $0xA;
	s6 =	simm.s32 @!p0 $0x0;
	(pc) =	sbr.rel .LBB1_1-.Ltmp0, $4  }
0xb: {  	_ =	strace $0x80000047;
	s7 =	sor.u32 s0, s7;
	s6 =	sadd.s32 s6, s5  }
0xc: {  	s7 =	sshrl.u32 s7, $0x3;
	s5 =	simm.s32 $0x1;
	s6 =	smul.u32 $0x64, s6  }
0xd: {  	s15 =	smov.u32 s3;
	s14 =	smov.u32 s7;
	[sflag:s5] =	ssyncpa.u1 $0x0  }
0xe: {  	p0 =	por $0x0, $0x0;
	[sflag:s8] =	ssyncpa.u1 $0x0;
	s8 =	sor.u32 $0x1, s6  }
.LBB1_4:
0xf: {  	s25 =	sshll.u32 s10, $0xA;
	s24 =	sshra.s32 s24, $0x2;
	s26 =	sshll.u32 s12, $0x3  }
0x10: {  	p1 =	sgt.s32 s11, $0x13;
	s27 =	smov.u32 s11;
	s28 =	sshra.s32 s11, $0x1F  }
0x11: {  	p2 =	sgt.s32 s12, $0x380;
	s31 =	sshra.s32 s12, $0x1F;
	s25 =	sand.u32 $0xFFFFE000, s25  }
0x12: {  	s26 =	sand.u32 $0xFFFFFC00, s26;
	s27 =	simm.s32 @!p1 $0x13;
	s28 =	sand.u32 s28, s11  }
0x13: {  	[tilespmem:s22+$0x2040 ss:$0x81] =	vst.msk $0xffff, v4;
	s23 =	sadd.s32 s24, s23;
	s29 =	sadd.s32 s26, s25;
	s25 =	ssub.s32 s27, s28  }
0x14: {  	[tilespmem:s22+$0x2850 ss:$0x81] =	vst.msk $0xffff, v3;
	s27 =	smov.u32 s12;
	s28 =	smov.u32 s10;
	s26 =	sand.u32 s31, s12  }
0x15: {  	[tilespmem:s22+$0x3060 ss:$0x81] =	vst.msk $0xffff, v2;
	s24 =	sshrl.u32 s29, $0xA;
	s30 =	sadd.s32 $0xFFFFFFED, s25;
	s27 =	simm.s32 @!p2 $0x380  }
0x16: {  	v5 =	vld [tilespmem:s21+$0xFFFFFFD0];
	[tilespmem:s22+$0x0 ss:$0x81] =	vst.msk $0xffff, v1;
	p2 =	sgt.s32 s10, $0x950;
	s29 =	sshra.s32 s10, $0x1F;
	s22 =	ssub.s32 $0x14, s25  }
0x17: {  	v58 =	vld [tilespmem:s21+$0xFFFFFFE0];
	p1 =	sgt.s32 s30, $0x0;
	s28 =	simm.s32 @!p2 $0x950;
	s29 =	sand.u32 s29, s10  }
0x18: {  	v59 =	vld [tilespmem:s21+$0xFFFFFFF0];
	s26 =	ssub.s32 s27, s26;
	s27 =	smulhi.u32 $0x1A16D4, s24;
	s28 =	ssub.s32 s28, s29  }
0x19: {  	v60 =	vld [tilespmem:s21+$0x0];
	s30 =	sadd.s32 $0xFFFFFC80, s26;
	s25 =	ssub.s32 $0x400, s26;
	s22 =	simm.s32 @p1 $0x0  }
0x1a: {  	v61 =	vld [tilespmem:s21+$0x10];
	[tilespmem:s23+$0x3870 ss:$0x81] =	vst.msk $0xffff, v0;
	s29 =	sand.u32 $0x78, s12;
	p2 =	sgt.s32 s30, $0x7F;
	s31 =	sadd.s32 $0xFFFFF6B0, s28  }
0x1b: {  	v62 =	vld [tilespmem:s21+$0x20];
	[tilespmem:s23+$0x810 ss:$0x81] =	vst.msk $0xffff, v5;
	s27 =	smul.u32 $0x9D0, s27;
	s30 =	sshll.u32 s10, $0x7;
	s28 =	ssub.s32 $0x9D0, s28  }
0x1c: {  	v63 =	vld [tilespmem:s21+$0xFFFFFFC0];
	[tilespmem:s23+$0x1020 ss:$0x81] =	vst.msk $0xffff, v58;
	s25 =	simm.s32 @p2 $0x0;
	p1 =	sgt.s32 s31, $0x7F;
	s31 =	smul.u32 $0x4E800, s11  }
0x1d: {  	[tilespmem:s23+$0x1830 ss:$0x81] =	vst.msk $0xffff, v59;
	s21 =	sand.u32 $0x380, s30;
	s22 =	smul.u32 s25, s22;
	s28 =	simm.s32 @p1 $0x0  }
0x1e: {  	[tilespmem:s23+$0x2040 ss:$0x81] =	vst.msk $0xffff, v60;
	s21 =	sor.u32 s29, s21;
	s24 =	ssub.s32 s24, s27;
	s29 =	sand.u32 $0x7, s12  }
0x1f: {  	[tilespmem:s23+$0x2850 ss:$0x81] =	vst.msk $0xffff, v61;
	s21 =	sshrl.u32 s21, $0x3;
	s25 =	sadd.s32 s2, s31;
	s22 =	smul.u32 s28, s22  }
0x20: {  	[tilespmem:s23+$0x3060 ss:$0x81] =	vst.msk $0xffff, v62;
	s24 =	sshll.u32 s24, $0x7;
	s30 =	sshll.u32 s29, $0x12;
	s21 =	sadd.s32 s21, s25  }
0x21: {  	[tilespmem:s23+$0x0 ss:$0x81] =	vst.msk $0xffff, v63;
	s31 =	sor.u32 $0x400, s30;
	s21 =	sadd.s32 s24, s21;
	s22 =	sand.u32 $0x3FFFFFFF, s22  }
0x22: {  	[hbm4b:s21+s31] =	stream.strided.scatter [tilespmem:s20], [sflag:$0x2], s22, s9, s31, $0x20;
	[tilespmem:$0x10100] =	vst v63  }
.LBB1_5:
0x23: {  	p1 =	slt.u32 s16, $0x2  }
0x24: {  	p2 =	sgt.s32 @!p1 s19, $0x13  }
0x25: {  	s20 =	smov.u32 s19;
	s21 =	sshra.s32 @!p1 s19, $0x1F;
	p2 =	por !p2, p1  }
0x26: {  	s19 =	sand.u32 @!p1 s21, s19;
	s20 =	simm.s32 @p2 $0x13  }
0x27: {  	p3 =	sgt.s32 @!p1 s18, $0x380;
	s19 =	ssub.s32 @!p1 s20, s19  }
0x28: {  	p3 =	por !p3, p1;
	s21 =	sshra.s32 @!p1 s18, $0x1F;
	s20 =	sadd.s32 @!p1 $0xFFFFFFED, s19  }
0x29: {  	s19 =	ssub.s32 @!p1 $0x14, s19;
	p2 =	sgt.s32 @!p1 s20, $0x0;
	s20 =	smov.u32 s18  }
0x2a: {  	s18 =	sand.u32 @!p1 s21, s18;
	s20 =	simm.s32 @p3 $0x380;
	p3 =	sgt.s32 @!p1 s17, $0x950  }
0x2b: {  	s21 =	smov.u32 s17;
	p2 =	por !p2, p1;
	p3 =	por !p3, p1  }
0x2c: {  	s18 =	ssub.s32 @!p1 s20, s18;
	s20 =	sshra.s32 @!p1 s17, $0x1F;
	s19 =	simm.s32 @!p2 $0x0  }
0x2d: {  	s21 =	simm.s32 @p3 $0x950;
	s17 =	sand.u32 @!p1 s20, s17;
	s20 =	sadd.s32 @!p1 $0xFFFFFC80, s18  }
0x2e: {  	s18 =	ssub.s32 @!p1 $0x400, s18;
	s17 =	ssub.s32 @!p1 s21, s17;
	p2 =	sgt.s32 @!p1 s20, $0x7F  }
0x2f: {  	s21 =	smov.u32 s14;
	s20 =	sadd.s32 @!p1 $0xFFFFF6B0, s17;
	p2 =	por !p2, p1  }
0x30: {  	s17 =	ssub.s32 @!p1 $0x9D0, s17;
	p3 =	sgt.s32 @!p1 s20, $0x7F;
	s18 =	simm.s32 @!p2 $0x0  }
0x31: {  	s20 =	sadd.s32 $0x80, s13;
	p2 =	por !p3, p1;
	s18 =	smul.u32 @!p1 s18, s19  }
0x32: {  	s19 =	sadd.s32 $0x4, s14;
	s17 =	simm.s32 @!p2 $0x0;
	p2 =	sgt.s32 s20, $0x9CF  }
0x33: {  	s22 =	smov.u32 s15;
	s21 =	smov.u32 @p2 s19  }
0x34: {  	s17 =	smul.u32 @!p1 s17, s18;
	s18 =	sadd.s32 $0x400, s15;
	p3 =	sgt.s32 s21, $0x13  }
0x35: {  	p0 =	por !p0, !p0;
	s23 =	simm.s32 @!p1 $0x2;
	s22 =	smov.u32 @p3 s18  }
0x36: {  	s20 =	simm.s32 @p2 $0x0;
	s19 =	smov.u32 s11;
	p2 =	sgt.s32 s22, $0x3FF  }
0x37: {  	s11 =	smov.u32 s14;
	s22 =	smov.u32 @p2 s3;
	p2 =	sne.s32 s16, s8  }
.Ltmp1:
0x38: {  	s17 =	sand.u32 @!p1 $0x3FFFFFFF, s17;
	s21 =	smov.u32 @p3 s7;
	(pc) =	sbr.rel @!p2 .LBB1_6-.Ltmp1, $4  }
0x39: {  	s18 =	smov.u32 s12;
	s12 =	smov.u32 s15;
	_ =	swait.ge @!p1 [sflag:s23], s17  }
0x3a: {  	s24 =	ssub.s32 @!p1 $0x0, s17;
	s17 =	smov.u32 s10;
	s10 =	smov.u32 s13  }
0x3b: {  	s13 =	smov.u32 s20;
	s14 =	smov.u32 s21;
	[sflag:s23] =	ssyncset.done @!p1 $0x0  }
0x3c: {  	s16 =	sadd.s32 $0x1, s16;
	[sflag:s23] =	ssyncadd.s32 @!p1 s24;
	s15 =	smov.u32 s22  }
.LBB1_1:
0x3d: {  	p1 =	sge.u32 s16, s6  }
0x3e: {  	s20 =	sshrl.u32 @!p1 s14, $0x3  }
0x3f: {  	s21 =	sshll.u32 @!p1 s13, $0x3;
	s20 =	smul.u32 @!p1 $0x5000, s20  }
0x40: {  	s22 =	sshll.u32 @!p1 s14, $0x7;
	s21 =	sand.u32 @!p1 $0xFFFFFC00, s21  }
0x41: {  	s20 =	sadd.s32 @!p1 s20, s21;
	s21 =	sand.u32 @!p1 $0x380, s22  }
0x42: {  	s20 =	sor.u32 @!p1 s21, s20  }
0x43: {  	s21 =	sand.u32 @!p1 $0x7F, s13;
	s22 =	smulhi.u32 @!p1 $0xCCCCCCCD, s20  }
0x44: {  	s20 =	sor.u32 @!p1 s21, s20  }
0x45: {  	s21 =	smulhi.u32 @!p1 $0xCCCCCCCD, s20;
	s22 =	sshrl.u32 @!p1 s22, $0xB  }
0x46: {  	s23 =	smulhi.u32 @!p1 $0xAAAAAAB, s22;
	_ =	sdelay $0x1  }
0x47: {  	s21 =	sshrl.u32 @!p1 s21, $0xB;
	s23 =	smul.u32 @!p1 $0x18, s23  }
0x48: {  	s31 =	sadd.s32 $0xFFFFFFFF, s16;
	s21 =	smul.u32 @!p1 $0xA00, s21  }
0x49: {  	s24 =	sxor.u32 @!p1 $0xFFFFFFFF, s16;
	s22 =	ssub.s32 @!p1 s22, s23;
	s23 =	smul.u32 @!p1 $0x1E00, s15  }
0x4a: {  	s24 =	sshll.u32 @!p1 s24, $0xE;
	s20 =	ssub.s32 @!p1 s20, s21;
	s21 =	smul.u32 @!p1 $0x140, s22  }
0x4b: {  	s22 =	sand.u32 @!p1 $0x4000, s24;
	s24 =	sand.u32 @!p1 $0x7, s20;
	s23 =	sadd.s32 @!p1 s4, s23  }
0x4c: {  	s20 =	sshrl.u32 @!p1 s20, $0x3;
	s21 =	sadd.s32 @!p1 s21, s23;
	s23 =	sshll.u32 @!p1 s24, $0x12  }
0x4d: {  	s20 =	sadd.s32 @!p1 s20, s21;
	s21 =	sor.u32 @!p1 $0x80, s23;
	s23 =	simm.s32 @!p1 $0xF000  }
0x4e: {  	[tilespmem:s22], [sflag:$0x1] =	stream.strided.gather @!p1 [hbm4b:s20+s21], $0x4000, s23, s21, $0x38;
	[tilespmem:$0x10100] =	vst v63  }
0x4f: {  	p1 =	sge.u32 s31, s6  }
.Ltmp2:
0x50: {  	_ = 	snop;
	(pc) =	sbr.rel @p1 .LBB1_5-.Ltmp2, $1  }
0x51: {  	_ =	sdelay $0x3  }
0x52: {  	s20 =	simm.s32 $0x1  }
0x53: {  	_ =	swait.ge [sflag:s5], $0x4000;
	s20 =	simm.s32 @!p0 $0x0  }
0x54: {  	[sflag:s5] =	ssyncset.done $0x0;
	s21 =	sshll.u32 s20, $0xE  }
0x55: {  	[sflag:s5] =	ssyncadd.s32 $0xFFFFC000;
	s21 =	sor.u32 $0x40, s21  }
0x56: {  	s20 =	smul.u32 $0x10200, s20;
	v0 =	vld [tilespmem:s21+$0x30]  }
0x57: {  	v1 =	vld [tilespmem:s21+$0xFFFFFFD0]  }
0x58: {  	s20 =	sshrl.u32 s20, $0x2;
	v5 =	vld [tilespmem:s21+$0xFFFFFFE0]  }
0x59: {  	v6 =	vld [tilespmem:s21+$0xFFFFFFF0];
	s23 =	sor.u32 $0x8000, s20  }
0x5a: {  	s31 =	sand.u32 $0x1, s16;
	v4 =	vld [tilespmem:s21+$0x0];
	s22 =	sadd.s32 $0x0, s23  }
0x5b: {  	v3 =	vld [tilespmem:s21+$0x10];
	s20 =	smul.u32 $0x10200, s31;
	[tilespmem:s22+$0x3870 ss:$0x81] =	vst.msk $0xffff, v0  }
0x5c: {  	v2 =	vld [tilespmem:s21+$0x20];
	[tilespmem:s22+$0x810 ss:$0x81] =	vst.msk $0xffff, v1  }
0x5d: {  	s20 =	sshrl.u32 s20, $0x2;
	v1 =	vld [tilespmem:s21+$0xFFFFFFC0];
	[tilespmem:s22+$0x1020 ss:$0x81] =	vst.msk $0xffff, v5;
	s21 =	sadd.s32 $0x80, s21  }
0x5e: {  	s24 =	simm.s32 $0x4;
	s25 =	simm.s32 $0x8;
	s20 =	sor.u32 $0x8000, s20;
	[tilespmem:s22+$0x1830 ss:$0x81] =	vst.msk $0xffff, v6;
	v0 =	vld [tilespmem:s21+$0x30]  }
.LBB1_3:
0x5f: {  	p1 =	sne.s32 s25, $0x1FC;
	v5 =	vld [tilespmem:s21+$0xFFFFFFD0];
	[tilespmem:s22+$0x2040 ss:$0x81] =	vst.msk $0xffff, v4  }
0x60: {  	v6 =	vld [tilespmem:s21+$0xFFFFFFE0];
	[tilespmem:s22+$0x2850 ss:$0x81] =	vst.msk $0xffff, v3  }
0x61: {  	s26 =	sshra.s32 s24, $0x2;
	s24 =	smov.u32 s25;
	v7 =	vld [tilespmem:s21+$0xFFFFFFF0];
	[tilespmem:s22+$0x3060 ss:$0x81] =	vst.msk $0xffff, v2  }
.Ltmp3:
0x62: {  	v4 =	vld [tilespmem:s21+$0x0];
	[tilespmem:s22+$0x0 ss:$0x81] =	vst.msk $0xffff, v1;
	s22 =	sadd.s32 s26, s23;
	(pc) =	sbr.rel @p1 .LBB1_3-.Ltmp3, $4  }
0x63: {  	v3 =	vld [tilespmem:s21+$0x10];
	[tilespmem:s22+$0x3870 ss:$0x81] =	vst.msk $0xffff, v0  }
0x64: {  	[tilespmem:s22+$0x810 ss:$0x81] =	vst.msk $0xffff, v5;
	v2 =	vld [tilespmem:s21+$0x20]  }
0x65: {  	v1 =	vld [tilespmem:s21+$0xFFFFFFC0];
	[tilespmem:s22+$0x1020 ss:$0x81] =	vst.msk $0xffff, v6;
	s21 =	sadd.s32 $0x80, s21  }
0x66: {  	s25 =	sadd.s32 $0x4, s25;
	v0 =	vld [tilespmem:s21+$0x30];
	[tilespmem:s22+$0x1830 ss:$0x81] =	vst.msk $0xffff, v7  }
.Ltmp4:
0x67: {  	_ = 	snop;
	(pc) =	sbr.rel .LBB1_4-.Ltmp4, $1  }
0x68: {  	_ =	sdelay $0x3  }
.LBB1_6:
0x69: {  	_ =	sfence.sel $0x180000  }
0x6a: {  	s2 =	simm.s32 $0x1;
	[bflag:$0x0] =	sbarrier.arrive $0xFFFF  }
0x6b: {  	s31 =	simm.s32 $0x2;
	[sflag:s2] =	ssyncpa.u1 $0x1  }
0x6c: {  	[sflag:s31] =	ssyncpa.u1 $0x1  }
0x6d: {  	p0 =	sne.s32 s0, $0x0;
	_ =	strace $0x90000047  }
0x6e: {  	s0 =	sadd.s32 @!p0 $0x100000, s1;
	[bflag:$0x2] =	sbarrier.arrive $0xFFFF  }
0x6f: {  	[sflag:s0] =	ssyncadd.tile.s32 @!p0 $0x1;
	_ =	shalt  }
.Lfunc_end1:
_tile_overlayer_lowered:
.L_overlay_start_2:
0x70: {  	(tag) =	ssettag $0x2  }
0x71: {  	s0 =	rddreg [dreg:$0x0];
	s2 =	stileid.u32  }
0x72: {  	s1 =	rddreg [dreg:$0x1];
	p0 =	sne.s32 s2, $0x0  }
0x73: {  	s3 =	rddreg [dreg:$0x2];
	[bflag:$0x3] =	sbarrier.arrive $0xFFFF;
	s2 =	simm.s32 @!p0 $0x1C01  }
0x74: {  	[timem:s3], [sflag:s2] =	dma.local @!p0 [hbm:s0], s1  }
0x75: {  	s0 =	simm.s32 @!p0 $0x1  }
0x76: {  	_ =	swait.ge @!p0 [sflag:s0], s1  }
0x77: {  	s1 =	ssub.s32 @!p0 $0x0, s1;
	[sflag:s0] =	ssyncset.done @!p0 $0x0  }
0x78: {  	[sflag:s0] =	ssyncadd.s32 @!p0 s1  }
0x79: {  	[bflag:$0x3] =	sbarrier.arrive $0xFFFF  }
0x7a: {  	_ =	shalt  }

</sc_bundles>
